<compile_context>
chip_gen: v7x
topology: tpu7x:2x2x1
jax: 0.10.2.dev20260603
libtpu: 0.0.44.dev20260713+nightly
codegen_flags: <defaults>
</compile_context>

<pallas_src>
import functools

import jax
import jax.numpy as jnp
from jax import lax
from jax.experimental import pallas as pl
from jax.experimental.pallas import tpu as pltpu
from jax.experimental.pallas import tpu_sc as plsc

D = 128
BATCH = 16384
HIST = 50
TOT = BATCH * HIST
NW = 32
GROUP = 128
GPW = TOT // (NW * GROUP)
ROWS_PER_W = TOT // NW
SC_ROWS = 2 * GROUP
NSC = GPW // 2

_mesh = plsc.VectorSubcoreMesh(core_axis_name="c", subcore_axis_name="s")


@functools.partial(
    pl.kernel,
    out_type=jax.ShapeDtypeStruct((TOT, D), jnp.float32),
    mesh=_mesh,
    scratch_types=[
        pltpu.VMEM((GPW, GROUP), jnp.int32),
        pltpu.VMEM((SC_ROWS, D), jnp.float32),
        pltpu.VMEM((SC_ROWS, D), jnp.float32),
        pltpu.SemaphoreType.DMA,
        pltpu.SemaphoreType.DMA,
        pltpu.SemaphoreType.DMA,
        pltpu.SemaphoreType.DMA,
    ],
)
def _embed_gather(table, idx, out, idx_v, buf0, buf1, gsem0, gsem1, wsem0, wsem1):
    wid = lax.axis_index("s") * 2 + lax.axis_index("c")
    base = wid * ROWS_PER_W

    pltpu.sync_copy(idx.at[pl.ds(wid * GPW, GPW)], idx_v)

    bufs = (buf0, buf1)
    gsems = (gsem0, gsem1)
    wsems = (wsem0, wsem1)

    def fire_gathers(t, p):
        g = 2 * t
        pltpu.async_copy(table.at[idx_v.at[g]], bufs[p].at[pl.ds(0, GROUP)], gsems[p])
        pltpu.async_copy(table.at[idx_v.at[g + 1]], bufs[p].at[pl.ds(GROUP, GROUP)], gsems[p])

    def drain_gathers(p):
        pltpu.make_async_copy(table.at[idx_v.at[0]], bufs[p].at[pl.ds(0, GROUP)], gsems[p]).wait()
        pltpu.make_async_copy(table.at[idx_v.at[0]], bufs[p].at[pl.ds(GROUP, GROUP)], gsems[p]).wait()

    def fire_wb(t, p):
        pltpu.async_copy(bufs[p], out.at[pl.ds(base + t * SC_ROWS, SC_ROWS)], wsems[p])

    def drain_wb(p):
        pltpu.make_async_copy(bufs[p], out.at[pl.ds(base, SC_ROWS)], wsems[p]).wait()

    fire_gathers(0, 0)
    drain_gathers(0)
    fire_wb(0, 0)
    fire_gathers(1, 1)

    @pl.loop(0, (NSC - 2) // 2)
    def _(i):
        for b in range(2):
            t = 2 * i + 1 + b
            p = 1 - b
            q = b
            drain_gathers(p)
            fire_wb(t, p)
            drain_wb(q)
            fire_gathers(t + 1, q)

    drain_gathers(1)
    fire_wb(NSC - 1, 1)
    drain_wb(0)
    drain_wb(1)


def kernel(input_ids, embed_table):
    idx = input_ids.reshape(TOT // GROUP, GROUP).astype(jnp.int32)
    out = _embed_gather(embed_table, idx)
    return out.reshape(BATCH, HIST, D)

# --- scband reference (transcript-rebuilt; emitter-appended) ---
"""Pipeline reference for scband-embedding-2774548873608 (READ-ONLY COPY).

The authoritative reference and input builder live on the scoring server;
editing this copy changes nothing except your own understanding.
"""

import jax, jax.numpy as jnp
import numpy as np

VOCAB = 100000
EMBED_DIM = 128
BATCH = 16384
HIST = 50

def setup_inputs(seed: int = 0) -> dict:
    key = jax.random.key(seed)
    k_idx, k_tab = jax.random.split(key)
    input_ids = jax.random.randint(k_idx, (BATCH, HIST), 0, VOCAB, dtype=jnp.int64)
    embed_table = jax.random.normal(k_tab, (VOCAB, EMBED_DIM), dtype=jnp.float32) * 0.02
    return {"input_ids": input_ids, "embed_table": embed_table}

def reference(input_ids, embed_table):
    # Faithful jax translation: llm_model.embed_tokens(input_ids) -> embedding row gather
    return jnp.take(embed_table, input_ids, axis=0)

if __name__ == "__main__":
    import jax
    _d = setup_inputs()
    print(jax.jit(kernel)(*tuple(_d.values())))

</pallas_src>

<mosaic_0001>
#map = affine_map<(d0, d1) -> (0, 0)>
module attributes {stable_mosaic.version = 14 : i64} {
  func.func @_embed_gather(%arg0: i32, %arg1: i32, %arg2: memref<100000x128xf32, #tpu.memory_space<hbm>>, %arg3: memref<6400x128xi32, #tpu.memory_space<hbm>>, %arg4: memref<819200x128xf32, #tpu.memory_space<hbm>>, %arg5: memref<200x128xi32, #tpu.memory_space<vmem>>, %arg6: memref<256x128xf32, #tpu.memory_space<vmem>>, %arg7: memref<256x128xf32, #tpu.memory_space<vmem>>, %arg8: memref<!tpu.dma_semaphore, #tpu.memory_space<semaphore_mem>>, %arg9: memref<!tpu.dma_semaphore, #tpu.memory_space<semaphore_mem>>, %arg10: memref<!tpu.dma_semaphore, #tpu.memory_space<semaphore_mem>>, %arg11: memref<!tpu.dma_semaphore, #tpu.memory_space<semaphore_mem>>) attributes {dimension_semantics = [#tpu.dimension_semantics<core_parallel>, #tpu.dimension_semantics<subcore_parallel>], iteration_bounds = array<i64: 2, 16>, scalar_prefetch = 0 : i64, scratch_operands = 7 : i64, tpu.core_type = #tpu.core_type<sc_vector_subcore>, window_params = [{transform_indices = #map}, {transform_indices = #map}, {transform_indices = #map}]} {
    %mul3A = arith.constant 2 : i32
    %mul3A_0 = arith.muli %arg1, %mul3A : i32
    %add3A = arith.addi %mul3A_0, %arg0 : i32
    %mul3A_1 = arith.constant 25600 : i32
    %mul3A_2 = arith.muli %add3A, %mul3A_1 : i32
    %mul3A_3 = arith.constant 200 : i32
    %mul3A_4 = arith.muli %add3A, %mul3A_3 : i32
    "tpu.region"() ({
      %run_scoped3A = tpu.sem_alloc : memref<!tpu.dma_semaphore, #tpu.memory_space<semaphore_mem>>
      %dma_start3A_107 = arith.constant 0 : i32
      %dma_start3A_108 = tpu.memref_slice %arg3[%mul3A_4, %dma_start3A_107] : memref<6400x128xi32, #tpu.memory_space<hbm>> -> memref<200x128xi32, #tpu.memory_space<hbm>>
      %dma_start3A_109 = arith.constant 0 : i32
      %dma_start3A_110 = tpu.memref_slice %arg3[%mul3A_4, %dma_start3A_109] : memref<6400x128xi32, #tpu.memory_space<hbm>> -> memref<200x128xi32, #tpu.memory_space<hbm>>
      tpu.enqueue_dma source(%dma_start3A_110 : memref<200x128xi32, #tpu.memory_space<hbm>>) target(%arg5 : memref<200x128xi32, #tpu.memory_space<vmem>>) target_semaphore(%run_scoped3A : memref<!tpu.dma_semaphore, #tpu.memory_space<semaphore_mem>>)
      %dma_wait3A_111 = arith.constant 0 : i32
      %dma_wait3A_112 = tpu.memref_slice %arg3[%mul3A_4, %dma_wait3A_111] : memref<6400x128xi32, #tpu.memory_space<hbm>> -> memref<200x128xi32, #tpu.memory_space<hbm>>
      %dma_wait3A_113 = arith.constant 0 : i32
      %dma_wait3A_114 = tpu.memref_slice %arg3[%mul3A_4, %dma_wait3A_113] : memref<6400x128xi32, #tpu.memory_space<hbm>> -> memref<200x128xi32, #tpu.memory_space<hbm>>
      tpu.wait_dma2 semaphore(%run_scoped3A : memref<!tpu.dma_semaphore, #tpu.memory_space<semaphore_mem>>) src(%dma_wait3A_114 : memref<200x128xi32, #tpu.memory_space<hbm>>) dst(%arg5 : memref<200x128xi32, #tpu.memory_space<vmem>>)
      tpu.yield
    }) : () -> ()
    %dma_start3A = arith.constant 0 : i32
    %dma_start3A_5 = arith.constant 0 : i32
    %dma_start3A_6 = arith.constant 0 : i32
    %dma_start3A_7 = tpu.memref_slice %arg6[%dma_start3A_5, %dma_start3A_6] : memref<256x128xf32, #tpu.memory_space<vmem>> -> memref<128x128xf32, #tpu.memory_space<vmem>>
    %dma_start3A_8 = arith.constant 0 : i32
    %dma_start3A_9 = tpu.memref_slice %arg5[%dma_start3A, %dma_start3A_8] : memref<200x128xi32, #tpu.memory_space<vmem>> -> memref<1x128xi32, #tpu.memory_space<vmem>>
    %dma_start3A_10 = tpu.memref_squeeze %dma_start3A_9 : memref<1x128xi32, #tpu.memory_space<vmem>> -> memref<128xi32, #tpu.memory_space<vmem>>
    %dma_start3A_11 = arith.constant 0 : i32
    %dma_start3A_12 = arith.constant 0 : i32
    %dma_start3A_13 = tpu.memref_slice %arg2[%dma_start3A_11, %dma_start3A_12] : memref<100000x128xf32, #tpu.memory_space<hbm>> -> memref<100000x128xf32, #tpu.memory_space<hbm>>
    tpu.enqueue_indirect_dma source(%dma_start3A_13 : memref<100000x128xf32, #tpu.memory_space<hbm>>) target(%dma_start3A_7 : memref<128x128xf32, #tpu.memory_space<vmem>>) offsets(%dma_start3A_10 : memref<128xi32, #tpu.memory_space<vmem>>) semaphore(%arg8 : memref<!tpu.dma_semaphore, #tpu.memory_space<semaphore_mem>>)
    %dma_start3A_14 = arith.constant 1 : i32
    %dma_start3A_15 = arith.constant 128 : i32
    %dma_start3A_16 = arith.constant 0 : i32
    %dma_start3A_17 = tpu.memref_slice %arg6[%dma_start3A_15, %dma_start3A_16] : memref<256x128xf32, #tpu.memory_space<vmem>> -> memref<128x128xf32, #tpu.memory_space<vmem>>
    %dma_start3A_18 = arith.constant 0 : i32
    %dma_start3A_19 = tpu.memref_slice %arg5[%dma_start3A_14, %dma_start3A_18] : memref<200x128xi32, #tpu.memory_space<vmem>> -> memref<1x128xi32, #tpu.memory_space<vmem>>
    %dma_start3A_20 = tpu.memref_squeeze %dma_start3A_19 : memref<1x128xi32, #tpu.memory_space<vmem>> -> memref<128xi32, #tpu.memory_space<vmem>>
    %dma_start3A_21 = arith.constant 0 : i32
    %dma_start3A_22 = arith.constant 0 : i32
    %dma_start3A_23 = tpu.memref_slice %arg2[%dma_start3A_21, %dma_start3A_22] : memref<100000x128xf32, #tpu.memory_space<hbm>> -> memref<100000x128xf32, #tpu.memory_space<hbm>>
    tpu.enqueue_indirect_dma source(%dma_start3A_23 : memref<100000x128xf32, #tpu.memory_space<hbm>>) target(%dma_start3A_17 : memref<128x128xf32, #tpu.memory_space<vmem>>) offsets(%dma_start3A_20 : memref<128xi32, #tpu.memory_space<vmem>>) semaphore(%arg8 : memref<!tpu.dma_semaphore, #tpu.memory_space<semaphore_mem>>)
    %dma_wait3A = arith.constant 0 : i32
    %dma_wait3A_24 = arith.constant 0 : i32
    %dma_wait3A_25 = arith.constant 0 : i32
    %dma_wait3A_26 = tpu.memref_slice %arg6[%dma_wait3A_24, %dma_wait3A_25] : memref<256x128xf32, #tpu.memory_space<vmem>> -> memref<128x128xf32, #tpu.memory_space<vmem>>
    %dma_wait3A_27 = arith.constant 0 : i32
    %dma_wait3A_28 = tpu.memref_slice %arg5[%dma_wait3A, %dma_wait3A_27] : memref<200x128xi32, #tpu.memory_space<vmem>> -> memref<1x128xi32, #tpu.memory_space<vmem>>
    %dma_wait3A_29 = tpu.memref_squeeze %dma_wait3A_28 : memref<1x128xi32, #tpu.memory_space<vmem>> -> memref<128xi32, #tpu.memory_space<vmem>>
    %dma_wait3A_30 = arith.constant 0 : i32
    %dma_wait3A_31 = arith.constant 0 : i32
    %dma_wait3A_32 = tpu.memref_slice %arg2[%dma_wait3A_30, %dma_wait3A_31] : memref<100000x128xf32, #tpu.memory_space<hbm>> -> memref<100000x128xf32, #tpu.memory_space<hbm>>
    tpu.wait_indirect_dma semaphore(%arg8 : memref<!tpu.dma_semaphore, #tpu.memory_space<semaphore_mem>>) src(%dma_wait3A_32 : memref<100000x128xf32, #tpu.memory_space<hbm>>) dst(%dma_wait3A_26 : memref<128x128xf32, #tpu.memory_space<vmem>>)
    %dma_wait3A_33 = arith.constant 0 : i32
    %dma_wait3A_34 = arith.constant 128 : i32
    %dma_wait3A_35 = arith.constant 0 : i32
    %dma_wait3A_36 = tpu.memref_slice %arg6[%dma_wait3A_34, %dma_wait3A_35] : memref<256x128xf32, #tpu.memory_space<vmem>> -> memref<128x128xf32, #tpu.memory_space<vmem>>
    %dma_wait3A_37 = arith.constant 0 : i32
    %dma_wait3A_38 = tpu.memref_slice %arg5[%dma_wait3A_33, %dma_wait3A_37] : memref<200x128xi32, #tpu.memory_space<vmem>> -> memref<1x128xi32, #tpu.memory_space<vmem>>
    %dma_wait3A_39 = tpu.memref_squeeze %dma_wait3A_38 : memref<1x128xi32, #tpu.memory_space<vmem>> -> memref<128xi32, #tpu.memory_space<vmem>>
    %dma_wait3A_40 = arith.constant 0 : i32
    %dma_wait3A_41 = arith.constant 0 : i32
    %dma_wait3A_42 = tpu.memref_slice %arg2[%dma_wait3A_40, %dma_wait3A_41] : memref<100000x128xf32, #tpu.memory_space<hbm>> -> memref<100000x128xf32, #tpu.memory_space<hbm>>
    tpu.wait_indirect_dma semaphore(%arg8 : memref<!tpu.dma_semaphore, #tpu.memory_space<semaphore_mem>>) src(%dma_wait3A_42 : memref<100000x128xf32, #tpu.memory_space<hbm>>) dst(%dma_wait3A_36 : memref<128x128xf32, #tpu.memory_space<vmem>>)
    %add3A_43 = arith.constant 0 : i32
    %add3A_44 = arith.addi %mul3A_2, %add3A_43 : i32
    %dma_start3A_45 = arith.constant 0 : i32
    %dma_start3A_46 = tpu.memref_slice %arg4[%add3A_44, %dma_start3A_45] : memref<819200x128xf32, #tpu.memory_space<hbm>> -> memref<256x128xf32, #tpu.memory_space<hbm>>
    %dma_start3A_47 = arith.constant 0 : i32
    %dma_start3A_48 = tpu.memref_slice %arg4[%add3A_44, %dma_start3A_47] : memref<819200x128xf32, #tpu.memory_space<hbm>> -> memref<256x128xf32, #tpu.memory_space<hbm>>
    tpu.enqueue_dma source(%arg6 : memref<256x128xf32, #tpu.memory_space<vmem>>) target(%dma_start3A_48 : memref<256x128xf32, #tpu.memory_space<hbm>>) target_semaphore(%arg10 : memref<!tpu.dma_semaphore, #tpu.memory_space<semaphore_mem>>)
    %dma_start3A_49 = arith.constant 2 : i32
    %dma_start3A_50 = arith.constant 0 : i32
    %dma_start3A_51 = arith.constant 0 : i32
    %dma_start3A_52 = tpu.memref_slice %arg7[%dma_start3A_50, %dma_start3A_51] : memref<256x128xf32, #tpu.memory_space<vmem>> -> memref<128x128xf32, #tpu.memory_space<vmem>>
    %dma_start3A_53 = arith.constant 0 : i32
    %dma_start3A_54 = tpu.memref_slice %arg5[%dma_start3A_49, %dma_start3A_53] : memref<200x128xi32, #tpu.memory_space<vmem>> -> memref<1x128xi32, #tpu.memory_space<vmem>>
    %dma_start3A_55 = tpu.memref_squeeze %dma_start3A_54 : memref<1x128xi32, #tpu.memory_space<vmem>> -> memref<128xi32, #tpu.memory_space<vmem>>
    %dma_start3A_56 = arith.constant 0 : i32
    %dma_start3A_57 = arith.constant 0 : i32
    %dma_start3A_58 = tpu.memref_slice %arg2[%dma_start3A_56, %dma_start3A_57] : memref<100000x128xf32, #tpu.memory_space<hbm>> -> memref<100000x128xf32, #tpu.memory_space<hbm>>
    tpu.enqueue_indirect_dma source(%dma_start3A_58 : memref<100000x128xf32, #tpu.memory_space<hbm>>) target(%dma_start3A_52 : memref<128x128xf32, #tpu.memory_space<vmem>>) offsets(%dma_start3A_55 : memref<128xi32, #tpu.memory_space<vmem>>) semaphore(%arg9 : memref<!tpu.dma_semaphore, #tpu.memory_space<semaphore_mem>>)
    %dma_start3A_59 = arith.constant 3 : i32
    %dma_start3A_60 = arith.constant 128 : i32
    %dma_start3A_61 = arith.constant 0 : i32
    %dma_start3A_62 = tpu.memref_slice %arg7[%dma_start3A_60, %dma_start3A_61] : memref<256x128xf32, #tpu.memory_space<vmem>> -> memref<128x128xf32, #tpu.memory_space<vmem>>
    %dma_start3A_63 = arith.constant 0 : i32
    %dma_start3A_64 = tpu.memref_slice %arg5[%dma_start3A_59, %dma_start3A_63] : memref<200x128xi32, #tpu.memory_space<vmem>> -> memref<1x128xi32, #tpu.memory_space<vmem>>
    %dma_start3A_65 = tpu.memref_squeeze %dma_start3A_64 : memref<1x128xi32, #tpu.memory_space<vmem>> -> memref<128xi32, #tpu.memory_space<vmem>>
    %dma_start3A_66 = arith.constant 0 : i32
    %dma_start3A_67 = arith.constant 0 : i32
    %dma_start3A_68 = tpu.memref_slice %arg2[%dma_start3A_66, %dma_start3A_67] : memref<100000x128xf32, #tpu.memory_space<hbm>> -> memref<100000x128xf32, #tpu.memory_space<hbm>>
    tpu.enqueue_indirect_dma source(%dma_start3A_68 : memref<100000x128xf32, #tpu.memory_space<hbm>>) target(%dma_start3A_62 : memref<128x128xf32, #tpu.memory_space<vmem>>) offsets(%dma_start3A_65 : memref<128xi32, #tpu.memory_space<vmem>>) semaphore(%arg9 : memref<!tpu.dma_semaphore, #tpu.memory_space<semaphore_mem>>)
    %scan3A = arith.constant 0 : i32
    %scan3A_69 = arith.constant 49 : i32
    %scan3A_70 = arith.addi %scan3A, %scan3A_69 : i32
    %scan3A_71 = arith.constant 1 : i32
    scf.for %scan3A_107 = %scan3A to %scan3A_70 step %scan3A_71  : i32 {
      %mul3A_108 = arith.constant 1 : i32
      %mul3A_109 = arith.muli %scan3A_107, %mul3A_108 : i32
      %add3A_110 = arith.constant 0 : i32
      %add3A_111 = arith.addi %add3A_110, %mul3A_109 : i32
      %mul3A_112 = arith.constant 2 : i32
      %mul3A_113 = arith.muli %mul3A_112, %add3A_111 : i32
      %add3A_114 = arith.constant 1 : i32
      %add3A_115 = arith.addi %mul3A_113, %add3A_114 : i32
      %add3A_116 = arith.constant 0 : i32
      %add3A_117 = arith.addi %add3A_115, %add3A_116 : i32
      %dma_wait3A_118 = arith.constant 0 : i32
      %dma_wait3A_119 = arith.constant 0 : i32
      %dma_wait3A_120 = arith.constant 0 : i32
      %dma_wait3A_121 = tpu.memref_slice %arg7[%dma_wait3A_119, %dma_wait3A_120] : memref<256x128xf32, #tpu.memory_space<vmem>> -> memref<128x128xf32, #tpu.memory_space<vmem>>
      %dma_wait3A_122 = arith.constant 0 : i32
      %dma_wait3A_123 = tpu.memref_slice %arg5[%dma_wait3A_118, %dma_wait3A_122] : memref<200x128xi32, #tpu.memory_space<vmem>> -> memref<1x128xi32, #tpu.memory_space<vmem>>
      %dma_wait3A_124 = tpu.memref_squeeze %dma_wait3A_123 : memref<1x128xi32, #tpu.memory_space<vmem>> -> memref<128xi32, #tpu.memory_space<vmem>>
      %dma_wait3A_125 = arith.constant 0 : i32
      %dma_wait3A_126 = arith.constant 0 : i32
      %dma_wait3A_127 = tpu.memref_slice %arg2[%dma_wait3A_125, %dma_wait3A_126] : memref<100000x128xf32, #tpu.memory_space<hbm>> -> memref<100000x128xf32, #tpu.memory_space<hbm>>
      tpu.wait_indirect_dma semaphore(%arg9 : memref<!tpu.dma_semaphore, #tpu.memory_space<semaphore_mem>>) src(%dma_wait3A_127 : memref<100000x128xf32, #tpu.memory_space<hbm>>) dst(%dma_wait3A_121 : memref<128x128xf32, #tpu.memory_space<vmem>>)
      %dma_wait3A_128 = arith.constant 0 : i32
      %dma_wait3A_129 = arith.constant 128 : i32
      %dma_wait3A_130 = arith.constant 0 : i32
      %dma_wait3A_131 = tpu.memref_slice %arg7[%dma_wait3A_129, %dma_wait3A_130] : memref<256x128xf32, #tpu.memory_space<vmem>> -> memref<128x128xf32, #tpu.memory_space<vmem>>
      %dma_wait3A_132 = arith.constant 0 : i32
      %dma_wait3A_133 = tpu.memref_slice %arg5[%dma_wait3A_128, %dma_wait3A_132] : memref<200x128xi32, #tpu.memory_space<vmem>> -> memref<1x128xi32, #tpu.memory_space<vmem>>
      %dma_wait3A_134 = tpu.memref_squeeze %dma_wait3A_133 : memref<1x128xi32, #tpu.memory_space<vmem>> -> memref<128xi32, #tpu.memory_space<vmem>>
      %dma_wait3A_135 = arith.constant 0 : i32
      %dma_wait3A_136 = arith.constant 0 : i32
      %dma_wait3A_137 = tpu.memref_slice %arg2[%dma_wait3A_135, %dma_wait3A_136] : memref<100000x128xf32, #tpu.memory_space<hbm>> -> memref<100000x128xf32, #tpu.memory_space<hbm>>
      tpu.wait_indirect_dma semaphore(%arg9 : memref<!tpu.dma_semaphore, #tpu.memory_space<semaphore_mem>>) src(%dma_wait3A_137 : memref<100000x128xf32, #tpu.memory_space<hbm>>) dst(%dma_wait3A_131 : memref<128x128xf32, #tpu.memory_space<vmem>>)
      %mul3A_138 = arith.constant 256 : i32
      %mul3A_139 = arith.muli %add3A_117, %mul3A_138 : i32
      %add3A_140 = arith.addi %mul3A_2, %mul3A_139 : i32
      %dma_start3A_141 = arith.constant 0 : i32
      %dma_start3A_142 = tpu.memref_slice %arg4[%add3A_140, %dma_start3A_141] : memref<819200x128xf32, #tpu.memory_space<hbm>> -> memref<256x128xf32, #tpu.memory_space<hbm>>
      %dma_start3A_143 = arith.constant 0 : i32
      %dma_start3A_144 = tpu.memref_slice %arg4[%add3A_140, %dma_start3A_143] : memref<819200x128xf32, #tpu.memory_space<hbm>> -> memref<256x128xf32, #tpu.memory_space<hbm>>
      tpu.enqueue_dma source(%arg7 : memref<256x128xf32, #tpu.memory_space<vmem>>) target(%dma_start3A_144 : memref<256x128xf32, #tpu.memory_space<hbm>>) target_semaphore(%arg11 : memref<!tpu.dma_semaphore, #tpu.memory_space<semaphore_mem>>)
      %dma_wait3A_145 = arith.constant 0 : i32
      %dma_wait3A_146 = tpu.memref_slice %arg4[%mul3A_2, %dma_wait3A_145] : memref<819200x128xf32, #tpu.memory_space<hbm>> -> memref<256x128xf32, #tpu.memory_space<hbm>>
      %dma_wait3A_147 = arith.constant 0 : i32
      %dma_wait3A_148 = tpu.memref_slice %arg4[%mul3A_2, %dma_wait3A_147] : memref<819200x128xf32, #tpu.memory_space<hbm>> -> memref<256x128xf32, #tpu.memory_space<hbm>>
      tpu.wait_dma2 semaphore(%arg10 : memref<!tpu.dma_semaphore, #tpu.memory_space<semaphore_mem>>) src(%arg6 : memref<256x128xf32, #tpu.memory_space<vmem>>) dst(%dma_wait3A_148 : memref<256x128xf32, #tpu.memory_space<hbm>>)
      %add3A_149 = arith.constant 1 : i32
      %add3A_150 = arith.addi %add3A_117, %add3A_149 : i32
      %mul3A_151 = arith.constant 2 : i32
      %mul3A_152 = arith.muli %mul3A_151, %add3A_150 : i32
      %dma_start3A_153 = arith.constant 0 : i32
      %dma_start3A_154 = arith.constant 0 : i32
      %dma_start3A_155 = tpu.memref_slice %arg6[%dma_start3A_153, %dma_start3A_154] : memref<256x128xf32, #tpu.memory_space<vmem>> -> memref<128x128xf32, #tpu.memory_space<vmem>>
      %dma_start3A_156 = arith.constant 0 : i32
      %dma_start3A_157 = tpu.memref_slice %arg5[%mul3A_152, %dma_start3A_156] : memref<200x128xi32, #tpu.memory_space<vmem>> -> memref<1x128xi32, #tpu.memory_space<vmem>>
      %dma_start3A_158 = tpu.memref_squeeze %dma_start3A_157 : memref<1x128xi32, #tpu.memory_space<vmem>> -> memref<128xi32, #tpu.memory_space<vmem>>
      %dma_start3A_159 = arith.constant 0 : i32
      %dma_start3A_160 = arith.constant 0 : i32
      %dma_start3A_161 = tpu.memref_slice %arg2[%dma_start3A_159, %dma_start3A_160] : memref<100000x128xf32, #tpu.memory_space<hbm>> -> memref<100000x128xf32, #tpu.memory_space<hbm>>
      tpu.enqueue_indirect_dma source(%dma_start3A_161 : memref<100000x128xf32, #tpu.memory_space<hbm>>) target(%dma_start3A_155 : memref<128x128xf32, #tpu.memory_space<vmem>>) offsets(%dma_start3A_158 : memref<128xi32, #tpu.memory_space<vmem>>) semaphore(%arg8 : memref<!tpu.dma_semaphore, #tpu.memory_space<semaphore_mem>>)
      %add3A_162 = arith.constant 1 : i32
      %add3A_163 = arith.addi %mul3A_152, %add3A_162 : i32
      %dma_start3A_164 = arith.constant 128 : i32
      %dma_start3A_165 = arith.constant 0 : i32
      %dma_start3A_166 = tpu.memref_slice %arg6[%dma_start3A_164, %dma_start3A_165] : memref<256x128xf32, #tpu.memory_space<vmem>> -> memref<128x128xf32, #tpu.memory_space<vmem>>
      %dma_start3A_167 = arith.constant 0 : i32
      %dma_start3A_168 = tpu.memref_slice %arg5[%add3A_163, %dma_start3A_167] : memref<200x128xi32, #tpu.memory_space<vmem>> -> memref<1x128xi32, #tpu.memory_space<vmem>>
      %dma_start3A_169 = tpu.memref_squeeze %dma_start3A_168 : memref<1x128xi32, #tpu.memory_space<vmem>> -> memref<128xi32, #tpu.memory_space<vmem>>
      %dma_start3A_170 = arith.constant 0 : i32
      %dma_start3A_171 = arith.constant 0 : i32
      %dma_start3A_172 = tpu.memref_slice %arg2[%dma_start3A_170, %dma_start3A_171] : memref<100000x128xf32, #tpu.memory_space<hbm>> -> memref<100000x128xf32, #tpu.memory_space<hbm>>
      tpu.enqueue_indirect_dma source(%dma_start3A_172 : memref<100000x128xf32, #tpu.memory_space<hbm>>) target(%dma_start3A_166 : memref<128x128xf32, #tpu.memory_space<vmem>>) offsets(%dma_start3A_169 : memref<128xi32, #tpu.memory_space<vmem>>) semaphore(%arg8 : memref<!tpu.dma_semaphore, #tpu.memory_space<semaphore_mem>>)
      %mul3A_173 = arith.constant 2 : i32
      %mul3A_174 = arith.muli %mul3A_173, %add3A_111 : i32
      %add3A_175 = arith.constant 1 : i32
      %add3A_176 = arith.addi %mul3A_174, %add3A_175 : i32
      %add3A_177 = arith.constant 1 : i32
      %add3A_178 = arith.addi %add3A_176, %add3A_177 : i32
      %dma_wait3A_179 = arith.constant 0 : i32
      %dma_wait3A_180 = arith.constant 0 : i32
      %dma_wait3A_181 = arith.constant 0 : i32
      %dma_wait3A_182 = tpu.memref_slice %arg6[%dma_wait3A_180, %dma_wait3A_181] : memref<256x128xf32, #tpu.memory_space<vmem>> -> memref<128x128xf32, #tpu.memory_space<vmem>>
      %dma_wait3A_183 = arith.constant 0 : i32
      %dma_wait3A_184 = tpu.memref_slice %arg5[%dma_wait3A_179, %dma_wait3A_183] : memref<200x128xi32, #tpu.memory_space<vmem>> -> memref<1x128xi32, #tpu.memory_space<vmem>>
      %dma_wait3A_185 = tpu.memref_squeeze %dma_wait3A_184 : memref<1x128xi32, #tpu.memory_space<vmem>> -> memref<128xi32, #tpu.memory_space<vmem>>
      %dma_wait3A_186 = arith.constant 0 : i32
      %dma_wait3A_187 = arith.constant 0 : i32
      %dma_wait3A_188 = tpu.memref_slice %arg2[%dma_wait3A_186, %dma_wait3A_187] : memref<100000x128xf32, #tpu.memory_space<hbm>> -> memref<100000x128xf32, #tpu.memory_space<hbm>>
      tpu.wait_indirect_dma semaphore(%arg8 : memref<!tpu.dma_semaphore, #tpu.memory_space<semaphore_mem>>) src(%dma_wait3A_188 : memref<100000x128xf32, #tpu.memory_space<hbm>>) dst(%dma_wait3A_182 : memref<128x128xf32, #tpu.memory_space<vmem>>)
      %dma_wait3A_189 = arith.constant 0 : i32
      %dma_wait3A_190 = arith.constant 128 : i32
      %dma_wait3A_191 = arith.constant 0 : i32
      %dma_wait3A_192 = tpu.memref_slice %arg6[%dma_wait3A_190, %dma_wait3A_191] : memref<256x128xf32, #tpu.memory_space<vmem>> -> memref<128x128xf32, #tpu.memory_space<vmem>>
      %dma_wait3A_193 = arith.constant 0 : i32
      %dma_wait3A_194 = tpu.memref_slice %arg5[%dma_wait3A_189, %dma_wait3A_193] : memref<200x128xi32, #tpu.memory_space<vmem>> -> memref<1x128xi32, #tpu.memory_space<vmem>>
      %dma_wait3A_195 = tpu.memref_squeeze %dma_wait3A_194 : memref<1x128xi32, #tpu.memory_space<vmem>> -> memref<128xi32, #tpu.memory_space<vmem>>
      %dma_wait3A_196 = arith.constant 0 : i32
      %dma_wait3A_197 = arith.constant 0 : i32
      %dma_wait3A_198 = tpu.memref_slice %arg2[%dma_wait3A_196, %dma_wait3A_197] : memref<100000x128xf32, #tpu.memory_space<hbm>> -> memref<100000x128xf32, #tpu.memory_space<hbm>>
      tpu.wait_indirect_dma semaphore(%arg8 : memref<!tpu.dma_semaphore, #tpu.memory_space<semaphore_mem>>) src(%dma_wait3A_198 : memref<100000x128xf32, #tpu.memory_space<hbm>>) dst(%dma_wait3A_192 : memref<128x128xf32, #tpu.memory_space<vmem>>)
      %mul3A_199 = arith.constant 256 : i32
      %mul3A_200 = arith.muli %add3A_178, %mul3A_199 : i32
      %add3A_201 = arith.addi %mul3A_2, %mul3A_200 : i32
      %dma_start3A_202 = arith.constant 0 : i32
      %dma_start3A_203 = tpu.memref_slice %arg4[%add3A_201, %dma_start3A_202] : memref<819200x128xf32, #tpu.memory_space<hbm>> -> memref<256x128xf32, #tpu.memory_space<hbm>>
      %dma_start3A_204 = arith.constant 0 : i32
      %dma_start3A_205 = tpu.memref_slice %arg4[%add3A_201, %dma_start3A_204] : memref<819200x128xf32, #tpu.memory_space<hbm>> -> memref<256x128xf32, #tpu.memory_space<hbm>>
      tpu.enqueue_dma source(%arg6 : memref<256x128xf32, #tpu.memory_space<vmem>>) target(%dma_start3A_205 : memref<256x128xf32, #tpu.memory_space<hbm>>) target_semaphore(%arg10 : memref<!tpu.dma_semaphore, #tpu.memory_space<semaphore_mem>>)
      %dma_wait3A_206 = arith.constant 0 : i32
      %dma_wait3A_207 = tpu.memref_slice %arg4[%mul3A_2, %dma_wait3A_206] : memref<819200x128xf32, #tpu.memory_space<hbm>> -> memref<256x128xf32, #tpu.memory_space<hbm>>
      %dma_wait3A_208 = arith.constant 0 : i32
      %dma_wait3A_209 = tpu.memref_slice %arg4[%mul3A_2, %dma_wait3A_208] : memref<819200x128xf32, #tpu.memory_space<hbm>> -> memref<256x128xf32, #tpu.memory_space<hbm>>
      tpu.wait_dma2 semaphore(%arg11 : memref<!tpu.dma_semaphore, #tpu.memory_space<semaphore_mem>>) src(%arg7 : memref<256x128xf32, #tpu.memory_space<vmem>>) dst(%dma_wait3A_209 : memref<256x128xf32, #tpu.memory_space<hbm>>)
      %add3A_210 = arith.constant 1 : i32
      %add3A_211 = arith.addi %add3A_178, %add3A_210 : i32
      %mul3A_212 = arith.constant 2 : i32
      %mul3A_213 = arith.muli %mul3A_212, %add3A_211 : i32
      %dma_start3A_214 = arith.constant 0 : i32
      %dma_start3A_215 = arith.constant 0 : i32
      %dma_start3A_216 = tpu.memref_slice %arg7[%dma_start3A_214, %dma_start3A_215] : memref<256x128xf32, #tpu.memory_space<vmem>> -> memref<128x128xf32, #tpu.memory_space<vmem>>
      %dma_start3A_217 = arith.constant 0 : i32
      %dma_start3A_218 = tpu.memref_slice %arg5[%mul3A_213, %dma_start3A_217] : memref<200x128xi32, #tpu.memory_space<vmem>> -> memref<1x128xi32, #tpu.memory_space<vmem>>
      %dma_start3A_219 = tpu.memref_squeeze %dma_start3A_218 : memref<1x128xi32, #tpu.memory_space<vmem>> -> memref<128xi32, #tpu.memory_space<vmem>>
      %dma_start3A_220 = arith.constant 0 : i32
      %dma_start3A_221 = arith.constant 0 : i32
      %dma_start3A_222 = tpu.memref_slice %arg2[%dma_start3A_220, %dma_start3A_221] : memref<100000x128xf32, #tpu.memory_space<hbm>> -> memref<100000x128xf32, #tpu.memory_space<hbm>>
      tpu.enqueue_indirect_dma source(%dma_start3A_222 : memref<100000x128xf32, #tpu.memory_space<hbm>>) target(%dma_start3A_216 : memref<128x128xf32, #tpu.memory_space<vmem>>) offsets(%dma_start3A_219 : memref<128xi32, #tpu.memory_space<vmem>>) semaphore(%arg9 : memref<!tpu.dma_semaphore, #tpu.memory_space<semaphore_mem>>)
      %add3A_223 = arith.constant 1 : i32
      %add3A_224 = arith.addi %mul3A_213, %add3A_223 : i32
      %dma_start3A_225 = arith.constant 128 : i32
      %dma_start3A_226 = arith.constant 0 : i32
      %dma_start3A_227 = tpu.memref_slice %arg7[%dma_start3A_225, %dma_start3A_226] : memref<256x128xf32, #tpu.memory_space<vmem>> -> memref<128x128xf32, #tpu.memory_space<vmem>>
      %dma_start3A_228 = arith.constant 0 : i32
      %dma_start3A_229 = tpu.memref_slice %arg5[%add3A_224, %dma_start3A_228] : memref<200x128xi32, #tpu.memory_space<vmem>> -> memref<1x128xi32, #tpu.memory_space<vmem>>
      %dma_start3A_230 = tpu.memref_squeeze %dma_start3A_229 : memref<1x128xi32, #tpu.memory_space<vmem>> -> memref<128xi32, #tpu.memory_space<vmem>>
      %dma_start3A_231 = arith.constant 0 : i32
      %dma_start3A_232 = arith.constant 0 : i32
      %dma_start3A_233 = tpu.memref_slice %arg2[%dma_start3A_231, %dma_start3A_232] : memref<100000x128xf32, #tpu.memory_space<hbm>> -> memref<100000x128xf32, #tpu.memory_space<hbm>>
      tpu.enqueue_indirect_dma source(%dma_start3A_233 : memref<100000x128xf32, #tpu.memory_space<hbm>>) target(%dma_start3A_227 : memref<128x128xf32, #tpu.memory_space<vmem>>) offsets(%dma_start3A_230 : memref<128xi32, #tpu.memory_space<vmem>>) semaphore(%arg9 : memref<!tpu.dma_semaphore, #tpu.memory_space<semaphore_mem>>)
    }
    %scan3A_72 = arith.constant 49 : i32
    %dma_wait3A_73 = arith.constant 0 : i32
    %dma_wait3A_74 = arith.constant 0 : i32
    %dma_wait3A_75 = arith.constant 0 : i32
    %dma_wait3A_76 = tpu.memref_slice %arg7[%dma_wait3A_74, %dma_wait3A_75] : memref<256x128xf32, #tpu.memory_space<vmem>> -> memref<128x128xf32, #tpu.memory_space<vmem>>
    %dma_wait3A_77 = arith.constant 0 : i32
    %dma_wait3A_78 = tpu.memref_slice %arg5[%dma_wait3A_73, %dma_wait3A_77] : memref<200x128xi32, #tpu.memory_space<vmem>> -> memref<1x128xi32, #tpu.memory_space<vmem>>
    %dma_wait3A_79 = tpu.memref_squeeze %dma_wait3A_78 : memref<1x128xi32, #tpu.memory_space<vmem>> -> memref<128xi32, #tpu.memory_space<vmem>>
    %dma_wait3A_80 = arith.constant 0 : i32
    %dma_wait3A_81 = arith.constant 0 : i32
    %dma_wait3A_82 = tpu.memref_slice %arg2[%dma_wait3A_80, %dma_wait3A_81] : memref<100000x128xf32, #tpu.memory_space<hbm>> -> memref<100000x128xf32, #tpu.memory_space<hbm>>
    tpu.wait_indirect_dma semaphore(%arg9 : memref<!tpu.dma_semaphore, #tpu.memory_space<semaphore_mem>>) src(%dma_wait3A_82 : memref<100000x128xf32, #tpu.memory_space<hbm>>) dst(%dma_wait3A_76 : memref<128x128xf32, #tpu.memory_space<vmem>>)
    %dma_wait3A_83 = arith.constant 0 : i32
    %dma_wait3A_84 = arith.constant 128 : i32
    %dma_wait3A_85 = arith.constant 0 : i32
    %dma_wait3A_86 = tpu.memref_slice %arg7[%dma_wait3A_84, %dma_wait3A_85] : memref<256x128xf32, #tpu.memory_space<vmem>> -> memref<128x128xf32, #tpu.memory_space<vmem>>
    %dma_wait3A_87 = arith.constant 0 : i32
    %dma_wait3A_88 = tpu.memref_slice %arg5[%dma_wait3A_83, %dma_wait3A_87] : memref<200x128xi32, #tpu.memory_space<vmem>> -> memref<1x128xi32, #tpu.memory_space<vmem>>
    %dma_wait3A_89 = tpu.memref_squeeze %dma_wait3A_88 : memref<1x128xi32, #tpu.memory_space<vmem>> -> memref<128xi32, #tpu.memory_space<vmem>>
    %dma_wait3A_90 = arith.constant 0 : i32
    %dma_wait3A_91 = arith.constant 0 : i32
    %dma_wait3A_92 = tpu.memref_slice %arg2[%dma_wait3A_90, %dma_wait3A_91] : memref<100000x128xf32, #tpu.memory_space<hbm>> -> memref<100000x128xf32, #tpu.memory_space<hbm>>
    tpu.wait_indirect_dma semaphore(%arg9 : memref<!tpu.dma_semaphore, #tpu.memory_space<semaphore_mem>>) src(%dma_wait3A_92 : memref<100000x128xf32, #tpu.memory_space<hbm>>) dst(%dma_wait3A_86 : memref<128x128xf32, #tpu.memory_space<vmem>>)
    %add3A_93 = arith.constant 25344 : i32
    %add3A_94 = arith.addi %mul3A_2, %add3A_93 : i32
    %dma_start3A_95 = arith.constant 0 : i32
    %dma_start3A_96 = tpu.memref_slice %arg4[%add3A_94, %dma_start3A_95] : memref<819200x128xf32, #tpu.memory_space<hbm>> -> memref<256x128xf32, #tpu.memory_space<hbm>>
    %dma_start3A_97 = arith.constant 0 : i32
    %dma_start3A_98 = tpu.memref_slice %arg4[%add3A_94, %dma_start3A_97] : memref<819200x128xf32, #tpu.memory_space<hbm>> -> memref<256x128xf32, #tpu.memory_space<hbm>>
    tpu.enqueue_dma source(%arg7 : memref<256x128xf32, #tpu.memory_space<vmem>>) target(%dma_start3A_98 : memref<256x128xf32, #tpu.memory_space<hbm>>) target_semaphore(%arg11 : memref<!tpu.dma_semaphore, #tpu.memory_space<semaphore_mem>>)
    %dma_wait3A_99 = arith.constant 0 : i32
    %dma_wait3A_100 = tpu.memref_slice %arg4[%mul3A_2, %dma_wait3A_99] : memref<819200x128xf32, #tpu.memory_space<hbm>> -> memref<256x128xf32, #tpu.memory_space<hbm>>
    %dma_wait3A_101 = arith.constant 0 : i32
    %dma_wait3A_102 = tpu.memref_slice %arg4[%mul3A_2, %dma_wait3A_101] : memref<819200x128xf32, #tpu.memory_space<hbm>> -> memref<256x128xf32, #tpu.memory_space<hbm>>
    tpu.wait_dma2 semaphore(%arg10 : memref<!tpu.dma_semaphore, #tpu.memory_space<semaphore_mem>>) src(%arg6 : memref<256x128xf32, #tpu.memory_space<vmem>>) dst(%dma_wait3A_102 : memref<256x128xf32, #tpu.memory_space<hbm>>)
    %dma_wait3A_103 = arith.constant 0 : i32
    %dma_wait3A_104 = tpu.memref_slice %arg4[%mul3A_2, %dma_wait3A_103] : memref<819200x128xf32, #tpu.memory_space<hbm>> -> memref<256x128xf32, #tpu.memory_space<hbm>>
    %dma_wait3A_105 = arith.constant 0 : i32
    %dma_wait3A_106 = tpu.memref_slice %arg4[%mul3A_2, %dma_wait3A_105] : memref<819200x128xf32, #tpu.memory_space<hbm>> -> memref<256x128xf32, #tpu.memory_space<hbm>>
    tpu.wait_dma2 semaphore(%arg11 : memref<!tpu.dma_semaphore, #tpu.memory_space<semaphore_mem>>) src(%arg7 : memref<256x128xf32, #tpu.memory_space<vmem>>) dst(%dma_wait3A_106 : memref<256x128xf32, #tpu.memory_space<hbm>>)
    return
  }
}

</mosaic_0001>

<sc_bundles>
// kernel: kernel.3.cloned.1.call-start
scs
__scs_entry_jumppad:
0x0: {  	(pc) =	sbr.rel $0x88, $3  }
0x1: {  	(tag) =	ssettag $0x0;
	lr =	simm.s32 $0x1  }
0x2: {  	[smem:$0x3F9F] =	sst lr;
	_ =	strace $0xD0000000  }
0x3: {  	_ = 	snop  }
0x4: {  	_ = 	snop  }
0x5: {  	_ = 	snop  }
0x6: {  	_ = 	snop  }
0x7: {  	_ = 	snop  }
__scs_overlays_trampoline_lowered:
0x8: {  	[smem:$0x3FAE] =	sst s0  }
0x9: {  	[smem:$0x3FAF] =	sst s1  }
0xa: {  	[smem:$0x3FB0] =	sst s2  }
0xb: {  	[smem:$0x3FB1] =	sst s3  }
0xc: {  	[smem:$0x3FB2] =	sst s4  }
0xd: {  	[smem:$0x3FB3] =	sst s5  }
0xe: {  	[smem:$0x3FB4] =	sst s6  }
0xf: {  	[smem:$0x3FB5] =	sst s7  }
0x10: {  	[smem:$0x3FB6] =	sst s8  }
0x11: {  	[smem:$0x3FB7] =	sst s9;
	s0 =	simm.s32 @!p0 $0x0  }
0x12: {  	s1 =	sld [smem:$0x3F9D];
	s0 =	simm.s32 @p0 $0x1  }
0x13: {  	[smem:$0x3FB8] =	sst s0;
	s0 =	simm.s32 @!p1 $0x0  }
0x14: {  	s2 =	sld [smem:$0x3F9C];
	s0 =	simm.s32 @p1 $0x1  }
0x15: {  	[smem:$0x3FB9] =	sst s0;
	s0 =	simm.s32 @!p2 $0x0  }
0x16: {  	s3 =	sld [smem:$0x3FDB];
	s0 =	simm.s32 @p2 $0x1  }
0x17: {  	s4 =	simm.s32 $0x1BF5;
	[smem:$0x3FBB] =	sst s0  }
0x18: {  	s0 =	sld [smem:$0x3F9E];
	_ =	swait.ge [sflag:s4], $0x0  }
0x19: {  	s7 =	sld [smem:$0x3F9F]  }
0x1a: {  	s8 =	sadd.s32 $0xFFFFE003, lr  }
0x1b: {  	s9 =	sadd.s32 $0xFFFFFEF7, lr;
	s5 =	simm.s32 $0xFFFFFFFF;
	p2 =	slt.u32 s8, $0xFFFFF086  }
0x1c: {  	p1 =	slt.u32 s9, $0xF7A;
	s5 =	simm.s32 @!p2 $0x0  }
0x1d: {  	s5 =	simm.s32 @p1 $0x1;
	p0 =	seq.s32 s7, s2  }
0x1e: {  	s7 =	smul.u32 @!p0 $0xF7A, s2;
	p2 =	seq.s32 @!p0 s5, $0x0  }
0x1f: {  	s9 =	smul.u32 $0xF7A, s1;
	s8 =	simm.s32 @!p0 $0x1BF5;
	p2 =	por !p2, p0  }
0x20: {  	[sflag:s8] =	ssyncset.s32 @!p0 $0xFFFFF086;
	s6 =	sadd.s32 @!p0 s3, s7;
	s7 =	simm.s32 @!p0 $0x108  }
0x21: {  	s3 =	sadd.s32 s3, s9;
	s6 =	sadd.s32 @!p0 $0x88, s6;
	s7 =	simm.s32 @p2 $0x1082  }
0x22: {  	[simem:s7], [sflag:s8] =	dma.local @!p0 [hbm:s6], $0xF7A  }
0x23: {  	s9 =	sor.u32 $0xD0000000, s2;
	s6 =	simm.s32 $0x108;
	_ =	swait.ge @!p0 [sflag:s8], $0x0  }
0x24: {  	s3 =	sadd.s32 $0x88, s3;
	s6 =	simm.s32 @!p1 $0x1082;
	[sflag:s4] =	ssyncset.s32 $0xFFFFF086  }
0x25: {  	[simem:s6], [sflag:s4] =	dma.local [hbm:s3], $0xF7A  }
0x26: {  	[smem:$0x3F9F] =	sst s1;
	(tag) =	ssettag s2;
	_ =	strace s9  }
0x27: {  	s1 =	sld [smem:$0x3FAF]  }
0x28: {  	s2 =	sld [smem:$0x3FB0]  }
0x29: {  	s4 =	sld [smem:$0x3FB2]  }
0x2a: {  	p0 =	seq.s32 s5, $0x0;
	s5 =	sld [smem:$0x3FB3]  }
0x2b: {  	s6 =	sld [smem:$0x3FB4]  }
0x2c: {  	s7 =	sld [smem:$0x3FB5]  }
0x2d: {  	s3 =	simm.s32 $0x108;
	s8 =	sld [smem:$0x3FB6]  }
0x2e: {  	s3 =	simm.s32 @!p0 $0x1082;
	s9 =	sld [smem:$0x3FB7]  }
0x2f: {  	lr =	sadd.s32 s0, s3;
	s0 =	sld [smem:$0x3FAE]  }
0x30: {  	s3 =	sld [smem:$0x3FB1]  }
0x31: {  	[smem:$0x3FBA] =	sst s10  }
0x32: {  	s10 =	sld [smem:$0x3FB8];
	_ =	sdelay $0x3  }
0x33: {  	p0 =	seq.s32 s10, $0x1;
	s10 =	sld [smem:$0x3FBA];
	_ =	sdelay $0x3  }
0x34: {  	[smem:$0x3FBA] =	sst s10  }
0x35: {  	s10 =	sld [smem:$0x3FB9];
	_ =	sdelay $0x3  }
0x36: {  	p1 =	seq.s32 s10, $0x1;
	s10 =	sld [smem:$0x3FBA];
	_ =	sdelay $0x3  }
0x37: {  	[smem:$0x3FBA] =	sst s10  }
0x38: {  	s10 =	sld [smem:$0x3FBB]  }
0x39: {  	_ = 	snop;
	(pc) =	sbr.ind lr, $3  }
0x3a: {  	_ = 	snop  }
0x3b: {  	_ = 	snop  }
0x3c: {  	p2 =	seq.s32 s10, $0x1;
	s10 =	sld [smem:$0x3FBA]  }
0x3d: {  	_ =	shalt  }
0x3e: {  	_ =	shalt  }
0x3f: {  	_ =	shalt  }
0x40: {  	_ =	shalt  }
0x41: {  	_ =	shalt  }
0x42: {  	_ =	shalt  }
0x43: {  	_ =	shalt  }
0x44: {  	_ =	shalt  }
0x45: {  	_ =	shalt  }
0x46: {  	_ =	shalt  }
0x47: {  	_ =	shalt  }
0x48: {  	_ =	shalt  }
0x49: {  	_ =	shalt  }
0x4a: {  	_ =	shalt  }
0x4b: {  	_ =	shalt  }
0x4c: {  	_ =	shalt  }
0x4d: {  	_ =	shalt  }
0x4e: {  	_ =	shalt  }
0x4f: {  	_ =	shalt  }
0x50: {  	_ =	shalt  }
0x51: {  	_ =	shalt  }
0x52: {  	_ =	shalt  }
0x53: {  	_ =	shalt  }
0x54: {  	_ =	shalt  }
0x55: {  	_ =	shalt  }
0x56: {  	_ =	shalt  }
0x57: {  	_ =	shalt  }
0x58: {  	_ =	shalt  }
0x59: {  	_ =	shalt  }
0x5a: {  	_ =	shalt  }
0x5b: {  	_ =	shalt  }
0x5c: {  	_ =	shalt  }
0x5d: {  	_ =	shalt  }
0x5e: {  	_ =	shalt  }
0x5f: {  	_ =	shalt  }
0x60: {  	_ =	shalt  }
0x61: {  	_ =	shalt  }
0x62: {  	_ =	shalt  }
0x63: {  	_ =	shalt  }
0x64: {  	_ =	shalt  }
0x65: {  	_ =	shalt  }
0x66: {  	_ =	shalt  }
0x67: {  	_ =	shalt  }
0x68: {  	_ =	shalt  }
0x69: {  	_ =	shalt  }
0x6a: {  	_ =	shalt  }
0x6b: {  	_ =	shalt  }
0x6c: {  	_ =	shalt  }
0x6d: {  	_ =	shalt  }
0x6e: {  	_ =	shalt  }
0x6f: {  	_ =	shalt  }
0x70: {  	_ =	shalt  }
0x71: {  	_ =	shalt  }
0x72: {  	_ =	shalt  }
0x73: {  	_ =	shalt  }
0x74: {  	_ =	shalt  }
0x75: {  	_ =	shalt  }
0x76: {  	_ =	shalt  }
0x77: {  	_ =	shalt  }
0x78: {  	_ =	shalt  }
0x79: {  	_ =	shalt  }
0x7a: {  	_ =	shalt  }
0x7b: {  	_ =	shalt  }
0x7c: {  	_ =	shalt  }
0x7d: {  	_ =	shalt  }
0x7e: {  	_ =	shalt  }
0x7f: {  	_ =	shalt  }
0x80: {  	_ =	shalt  }
0x81: {  	_ =	shalt  }
0x82: {  	_ =	shalt  }
0x83: {  	_ =	shalt  }
0x84: {  	_ =	shalt  }
0x85: {  	_ =	shalt  }
0x86: {  	_ =	shalt  }
0x87: {  	_ =	shalt  }
.Lfunc_end0:
.L_simem_size_0:
called_computation.1_lowered:
.L_overlay_start_0:
0x88: {  	s2 =	sld [smem:$0x3FD9]  }
0x89: {  	s3 =	sld [smem:$0x3FFE];
	_ =	sdelay $0x1  }
0x8a: {  	s1 =	srdreg.scid  }
0x8b: {  	s0 =	sand.u32 $0x1, s1  }
0x8c: {  	s17 =	sshll.u32 s0, $0xA;
	s2 =	sadd.s32 s3, s2  }
0x8d: {  	s2 =	sadd.s32 s2, s17  }
0x8e: {  	[smem:$0x3FC6] =	sst s2  }
0x8f: {  	_ = 	snop  }
0x90: {  	s2 =	sld [smem:$0x3FC8]  }
0x91: {  	s18 =	sld [smem:$0x3FD0];
	(tm) =	ssettm $0x1  }
0x92: {  	s4 =	sld [smem:$0x3FFB];
	_ =	sdelay $0x3  }
0x93: {  	_ =	strace s4  }
0x94: {  	s4 =	sld [smem:$0x3FFC];
	_ =	sdelay $0x3  }
0x95: {  	_ =	strace s4  }
0x96: {  	s4 =	sld [smem:$0x3FFD];
	_ =	sdelay $0x3  }
0x97: {  	_ =	strace s4  }
0x98: {  	_ =	strace $0x8FFFFFFF  }
0x99: {  	s19 =	sld [smem:$0x3FDB];
	_ =	sdelay $0x1  }
0x9a: {  	s5 =	simm.s32 $_scs_section_size  }
0x9b: {  	s6 =	simm.s32 $_size__tile_overlayer_lowered;
	s7 =	simm.s32 $_tile_overlayer_lowered  }
0x9c: {  	s22 =	simm.s32 $0x1BFF;
	s21 =	sshll.u32 s7, $0x1;
	s4 =	sadd.s32 s5, s19  }
0x9d: {  	s8 =	simm.s32 $0x0;
	s20 =	sshll.u32 s6, $0x1;
	s6 =	sadd.s32 s21, s4  }
0x9e: {  	[timem:s8], [sflag:s22] =	dma.local [hbm:s6], s20  }
0x9f: {  	_ =	swait.ge [sflag:s22], s20  }
0xa0: {  	s5 =	ssub.s32 $0x0, s20;
	[sflag:s22] =	ssyncset.done $0x0  }
0xa1: {  	[sflag:s22] =	ssyncadd.s32 s5;
	_ =	sdelay $0x1  }
0xa2: {  	s23 =	simm.s32 $0x1B8B  }
0xa3: {  	_ =	swait.ge [sflag:s23], $0x1  }
0xa4: {  	[sflag:s23] =	ssyncset.done $0x0  }
0xa5: {  	s25 =	simm.s32 $0x1B8E;
	s24 =	sld [smem:$0x3FFE];
	[sflag:s23] =	ssyncadd.s32 $0xFFFFFFFF  }
0xa6: {  	s26 =	simm.s32 $execute0_lowered;
	[smem:$0x3FD2] =	sst s25  }
0xa7: {  	s6 =	sshll.u32 s26, $0x1;
	_ =	strace $0x80000046;
	[dreg:$0x1] =	wrdreg $0xFFFFFFFF  }
0xa8: {  	s28 =	simm.s32 $_size_execute0_lowered;
	s4 =	sadd.s32 s4, s6;
	[dreg:$0x0] =	wrdreg $0x0  }
0xa9: {  	s6 =	sshll.u32 s28, $0x1;
	[dreg:$0x2] =	wrdreg s4  }
0xaa: {  	[dreg:$0x3] =	wrdreg s6  }
0xab: {  	[dreg:$0x4] =	wrdreg $0xC0  }
0xac: {  	_ =	task [dreg:s8], $0x5FFFF  }
0xad: {  	[dreg:$0x1] =	wrdreg $0xFFFFFFFF  }
0xae: {  	[dreg:$0x0] =	wrdreg $0x60  }
0xaf: {  	[dreg:$0x2] =	wrdreg s2  }
0xb0: {  	[dreg:$0x3] =	wrdreg s24  }
0xb1: {  	[dreg:$0x4] =	wrdreg s18  }
0xb2: {  	[dreg:$0x5] =	wrdreg $0x9  }
0xb3: {  	_ =	task.clear_ibuf [dreg:s8], $0x6FFFF;
	_ =	strace $0x90000046  }
0xb4: {  	s29 =	simm.s32 $0x9;
	_ =	strace $0x80000048  }
0xb5: {  	_ =	swait.ge [sflag:s29], $0x1  }
0xb6: {  	[sflag:s29] =	ssyncadd.s32 $0xFFFFFFFF  }
0xb7: {  	_ =	strace $0x90000048  }
0xb8: {  	_ =	sfence  }
0xb9: {  	s30 =	sld [smem:$0x0];
	_ =	sdelay $0x2  }
0xba: {  	s31 =	sshll.u32 s1, $0xD;
	s1 =	sshrl.u32 s1, $0x2  }
0xbb: {  	s3 =	sand.u32 $0x4000, s31;
	s1 =	sadd.s32 s1, s30  }
0xbc: {  	s0 =	sor.u32 s3, s0;
	s1 =	sshll.u32 s1, $0x11  }
0xbd: {  	s0 =	sor.u32 s1, s0  }
0xbe: {  	s0 =	sadd.s32 $0x8F2B, s0  }
0xbf: {  	[sflag:s0] =	ssyncadd.remote.s32 $0x1  }
0xc0: {  	_ =	sfence.sel $0xFFFF  }
0xc1: {  	[dreg:$0x0] =	wrdreg $0xFFFFFFFF;
	(pc) =	sbr.abs _section_cstart, $3  }
0xc2: {  	[dreg:$0x1] =	wrdreg $0xFFFFFFFF  }
0xc3: {  	_ =	task.clear_ibuf [dreg:s8], $0x2FFFF;
	_ =	strace $0x9FFFFFFF  }
0xc4: {  	(tm) =	ssettm $0x7FFFFFFF  }
0xc5: {  	_ =	shalt  }
tec
execute0_lowered:
.L_overlay_start_1:
0x0: {  	(tag) =	ssettag $0x1  }
0x1: {  	s1 =	rddreg [dreg:$0x0];
	s2 =	srdreg.scid  }
0x2: {  	s0 =	stileid.u32;
	s4 =	rddreg [dreg:$0x1]  }
0x3: {  	s9 =	rddreg [dreg:$0x2];
	s3 =	simm.s32 $0x0;
	s14 =	simm.s32 $0x1  }
0x4: {  	s15 =	simm.s32 $0x100;
	s16 =	simm.s32 $0xE400;
	s17 =	simm.s32 $0x180  }
0x5: {  	s18 =	simm.s32 $0x12400;
	s19 =	simm.s32 $0x2;
	s25 =	smul.u32 $0x640000, s0  }
0x6: {  	s20 =	simm.s32 $0x3;
	s6 =	sand.u32 $0x1, s2;
	s28 =	smul.u32 $0xC8000, s0  }
0x7: {  	s21 =	simm.s32 $0x4;
	s23 =	sshll.u32 s0, $0x1;
	s12 =	smul.u32 $0x320000, s6  }
0x8: {  	s2 =	rddreg [dreg:$0x3];
	s5 =	sor.u32 s6, s23;
	s13 =	smul.u32 $0x64000, s6  }
0x9: {  	s22 =	simm.s32 $0x0;
	[smem:$0x7FF] =	sst s3;
	s7 =	smul.u32 $0xC80, s5  }
0xa: {  	_ =	strace $0x80000047;
	s10 =	ssub.s32 $0x2, s6;
	s8 =	smul.u32 $0x64000, s5  }
0xb: {  	s11 =	smul.u32 $0x320000, s5;
	s24 =	sshrl.u32 s10, $0x1;
	s29 =	sadd.s32 s28, s9  }
0xc: {  	s10 =	ssub.s32 s10, s24;
	s4 =	sadd.s32 s7, s4;
	s5 =	sadd.s32 s9, s8  }
0xd: {  	s26 =	sshrl.u32 s11, $0x3;
	s7 =	sadd.s32 s12, s25;
	s11 =	simm.s32 $0x80  }
0xe: {  	s12 =	simm.s32 $0x6400;
	s4 =	sadd.s32 $0x800, s4;
	s8 =	sadd.s32 s9, s26  }
0xf: {  	s30 =	sor.u32 $0x10000, s7;
	s7 =	smax.u32 s10, $0x1;
	s10 =	simm.s32 $0x5  }
0x10: {  	s6 =	sadd.s32 $0x63000, s8;
	s8 =	sadd.s32 s13, s29;
	s31 =	sshrl.u32 s30, $0x3  }
0x11: {  	s13 =	simm.s32 $0xA400;
	s8 =	sadd.s32 $0x1000, s8;
	s9 =	sadd.s32 s31, s9  }
.LBB2_1:
0x12: {  	[tilespmem:s3], [sflag:$0x5] =	stream.linear.gather [hbm4b:s4+s3], $0x6400, $0x38;
	[tilespmem:$0x16400] =	vst v63  }
0x13: {  	_ =	swait.ge [sflag:s10], $0x6400  }
0x14: {  	[sflag:s10] =	ssyncset.done $0x0  }
0x15: {  	[sflag:s10] =	ssyncadd.s32 $0xFFFF9C00  }
0x16: {  	[tilespmem:s12], [sflag:$0x1] =	stream.indirect.gather [hbm4b:s1+s11], $0x80, s3, s11, $0xb8;
	[tilespmem:$0x16400] =	vst v63  }
0x17: {  	_ = 	snop  }
0x18: {  	[tilespmem:s13], [sflag:$0x1] =	stream.indirect.gather [hbm4b:s1+s11], $0x80, s11, s11, $0xb8;
	[tilespmem:$0x16400] =	vst v63  }
0x19: {  	_ =	swait.ge [sflag:s14], $0x4000  }
0x1a: {  	[sflag:s14] =	ssyncset.done $0x0  }
0x1b: {  	[sflag:s14] =	ssyncadd.s32 $0xFFFFC000  }
0x1c: {  	_ =	swait.ge [sflag:s14], $0x4000  }
0x1d: {  	[sflag:s14] =	ssyncset.done $0x0  }
0x1e: {  	[sflag:s14] =	ssyncadd.s32 $0xFFFFC000  }
0x1f: {  	[hbm4b:s5+s3] =	stream.linear.scatter [tilespmem:s12], [sflag:$0x3], $0x8000, $0x38;
	[tilespmem:$0x16400] =	vst v63  }
0x20: {  	_ = 	snop  }
0x21: {  	[tilespmem:s16], [sflag:$0x2] =	stream.indirect.gather [hbm4b:s1+s11], $0x80, s15, s11, $0xb8;
	[tilespmem:$0x16400] =	vst v63  }
0x22: {  	_ = 	snop  }
0x23: {  	[tilespmem:s18], [sflag:$0x2] =	stream.indirect.gather [hbm4b:s1+s11], $0x80, s17, s11, $0xb8;
	[tilespmem:$0x16400] =	vst v63  }
0x24: {  	_ =	swait.ge [sflag:s19], $0x4000  }
0x25: {  	[sflag:s19] =	ssyncset.done $0x0  }
0x26: {  	[sflag:s19] =	ssyncadd.s32 $0xFFFFC000  }
0x27: {  	_ =	swait.ge [sflag:s19], $0x4000  }
0x28: {  	[sflag:s19] =	ssyncset.done $0x0  }
0x29: {  	[sflag:s19] =	ssyncadd.s32 $0xFFFFC000  }
0x2a: {  	[hbm4b:s8+s3] =	stream.linear.scatter [tilespmem:s16], [sflag:$0x4], $0x8000, $0x38;
	[tilespmem:$0x16400] =	vst v63  }
0x2b: {  	_ =	swait.ge [sflag:s20], $0x8000  }
0x2c: {  	[sflag:s20] =	ssyncset.done $0x0  }
0x2d: {  	s23 =	simm.s32 $0x200;
	[sflag:s20] =	ssyncadd.s32 $0xFFFF8000  }
0x2e: {  	[tilespmem:s12], [sflag:$0x1] =	stream.indirect.gather [hbm4b:s1+s11], $0x80, s23, s11, $0xb8;
	[tilespmem:$0x16400] =	vst v63  }
0x2f: {  	s30 =	simm.s32 $0x280  }
0x30: {  	[tilespmem:s13], [sflag:$0x1] =	stream.indirect.gather [hbm4b:s1+s11], $0x80, s30, s11, $0xb8;
	[tilespmem:$0x16400] =	vst v63  }
0x31: {  	_ =	swait.ge [sflag:s14], $0x4000  }
0x32: {  	[sflag:s14] =	ssyncset.done $0x0  }
0x33: {  	[sflag:s14] =	ssyncadd.s32 $0xFFFFC000  }
0x34: {  	_ =	swait.ge [sflag:s14], $0x4000  }
0x35: {  	[sflag:s14] =	ssyncset.done $0x0  }
0x36: {  	[sflag:s14] =	ssyncadd.s32 $0xFFFFC000  }
0x37: {  	[hbm4b:s9+s3] =	stream.linear.scatter [tilespmem:s12], [sflag:$0x3], $0x8000, $0x38;
	[tilespmem:$0x16400] =	vst v63  }
0x38: {  	s31 =	simm.s32 $0x300;
	_ =	swait.ge [sflag:s21], $0x8000  }
0x39: {  	s26 =	simm.s32 $0x380;
	s24 =	sadd.s32 $0x2000, s8;
	[sflag:s21] =	ssyncset.done $0x0  }
0x3a: {  	s25 =	sadd.s32 $0x2000, s9;
	s23 =	simm.s32 $0x800;
	[sflag:s21] =	ssyncadd.s32 $0xFFFF8000  }
0x3b: {  	[tilespmem:s16], [sflag:$0x2] =	stream.indirect.gather [hbm4b:s1+s11], $0x80, s31, s11, $0xb8;
	[tilespmem:$0x16400] =	vst v63  }
.LBB2_2:
0x3c: {  	[tilespmem:s18], [sflag:$0x2] =	stream.indirect.gather [hbm4b:s1+s11], $0x80, s26, s11, $0xb8;
	[tilespmem:$0x16400] =	vst v63  }
0x3d: {  	s26 =	smov.u32 s23  }
0x3e: {  	p0 =	sne.s32 s23, $0x18000;
	s23 =	sadd.s32 $0x800, s23;
	_ =	swait.ge [sflag:s19], $0x4000  }
0x3f: {  	[sflag:s19] =	ssyncset.done $0x0  }
0x40: {  	[sflag:s19] =	ssyncadd.s32 $0xFFFFC000  }
0x41: {  	_ =	swait.ge [sflag:s19], $0x4000  }
0x42: {  	[sflag:s19] =	ssyncset.done $0x0  }
0x43: {  	[sflag:s19] =	ssyncadd.s32 $0xFFFFC000  }
0x44: {  	[hbm4b:s24+s3] =	stream.linear.scatter [tilespmem:s16], [sflag:$0x4], $0x8000, $0x38;
	[tilespmem:$0x16400] =	vst v63  }
0x45: {  	_ =	swait.ge [sflag:s20], $0x8000  }
0x46: {  	s26 =	sshra.s32 s26, $0x2;
	[sflag:s20] =	ssyncset.done $0x0  }
0x47: {  	s28 =	sadd.s32 $0x200, s26;
	[sflag:s20] =	ssyncadd.s32 $0xFFFF8000  }
0x48: {  	[tilespmem:s12], [sflag:$0x1] =	stream.indirect.gather [hbm4b:s1+s11], $0x80, s28, s11, $0xb8;
	[tilespmem:$0x16400] =	vst v63  }
0x49: {  	s28 =	sadd.s32 $0x280, s26  }
0x4a: {  	[tilespmem:s13], [sflag:$0x1] =	stream.indirect.gather [hbm4b:s1+s11], $0x80, s28, s11, $0xb8;
	[tilespmem:$0x16400] =	vst v63  }
0x4b: {  	_ =	swait.ge [sflag:s14], $0x4000  }
0x4c: {  	[sflag:s14] =	ssyncset.done $0x0  }
0x4d: {  	[sflag:s14] =	ssyncadd.s32 $0xFFFFC000  }
0x4e: {  	_ =	swait.ge [sflag:s14], $0x4000  }
0x4f: {  	[sflag:s14] =	ssyncset.done $0x0  }
0x50: {  	[sflag:s14] =	ssyncadd.s32 $0xFFFFC000  }
0x51: {  	[hbm4b:s25+s3] =	stream.linear.scatter [tilespmem:s12], [sflag:$0x3], $0x8000, $0x38;
	[tilespmem:$0x16400] =	vst v63  }
.Ltmp0:
0x52: {  	_ =	swait.ge [sflag:s21], $0x8000;
	(pc) =	sbr.rel @p0 .LBB2_2-.Ltmp0, $4  }
0x53: {  	[sflag:s21] =	ssyncset.done $0x0  }
0x54: {  	s28 =	sadd.s32 $0x300, s26;
	[sflag:s21] =	ssyncadd.s32 $0xFFFF8000  }
0x55: {  	[tilespmem:s16], [sflag:$0x2] =	stream.indirect.gather [hbm4b:s1+s11], $0x80, s28, s11, $0xb8;
	[tilespmem:$0x16400] =	vst v63  }
0x56: {  	s24 =	sadd.s32 $0x2000, s24;
	s26 =	sadd.s32 $0x380, s26;
	s25 =	sadd.s32 $0x2000, s25  }
0x57: {  	[tilespmem:s18], [sflag:$0x2] =	stream.indirect.gather [hbm4b:s1+s11], $0x80, s26, s11, $0xb8;
	[tilespmem:$0x16400] =	vst v63  }
0x58: {  	_ =	swait.ge [sflag:s19], $0x4000  }
0x59: {  	[sflag:s19] =	ssyncset.done $0x0  }
0x5a: {  	[sflag:s19] =	ssyncadd.s32 $0xFFFFC000  }
0x5b: {  	_ =	swait.ge [sflag:s19], $0x4000  }
0x5c: {  	[sflag:s19] =	ssyncset.done $0x0  }
0x5d: {  	s22 =	sadd.s32 $0x1, s22;
	[sflag:s19] =	ssyncadd.s32 $0xFFFFC000  }
0x5e: {  	[hbm4b:s6+s3] =	stream.linear.scatter [tilespmem:s16], [sflag:$0x4], $0x8000, $0x38;
	[tilespmem:$0x16400] =	vst v63  }
0x5f: {  	p0 =	sne.s32 s22, s7;
	_ =	swait.ge [sflag:s20], $0x8000  }
.Ltmp1:
0x60: {  	[sflag:s20] =	ssyncset.done $0x0;
	(pc) =	sbr.rel @p0 .LBB2_1-.Ltmp1, $4  }
0x61: {  	[sflag:s20] =	ssyncadd.s32 $0xFFFF8000  }
0x62: {  	_ =	swait.ge [sflag:s21], $0x8000  }
0x63: {  	[sflag:s21] =	ssyncset.done $0x0  }
0x64: {  	[sflag:s21] =	ssyncadd.s32 $0xFFFF8000  }
0x65: {  	_ =	sfence.sel $0x180000  }
0x66: {  	[bflag:$0x0] =	sbarrier.arrive $0xFFFF  }
0x67: {  	p0 =	sne.s32 s0, $0x0;
	_ =	strace $0x90000047  }
0x68: {  	s0 =	sadd.s32 @!p0 $0x100000, s2;
	[bflag:$0x2] =	sbarrier.arrive $0xFFFF  }
0x69: {  	[sflag:s0] =	ssyncadd.tile.s32 @!p0 $0x1;
	_ =	shalt  }
.Lfunc_end2:
_tile_overlayer_lowered:
.L_overlay_start_2:
0x6a: {  	(tag) =	ssettag $0x2  }
0x6b: {  	s0 =	rddreg [dreg:$0x0];
	s2 =	stileid.u32  }
0x6c: {  	s1 =	rddreg [dreg:$0x1];
	p0 =	sne.s32 s2, $0x0  }
0x6d: {  	s3 =	rddreg [dreg:$0x2];
	[bflag:$0x3] =	sbarrier.arrive $0xFFFF;
	s2 =	simm.s32 @!p0 $0x1C05  }
0x6e: {  	[timem:s3], [sflag:s2] =	dma.local @!p0 [hbm:s0], s1  }
0x6f: {  	s0 =	simm.s32 @!p0 $0x5  }
0x70: {  	_ =	swait.ge @!p0 [sflag:s0], s1  }
0x71: {  	s1 =	ssub.s32 @!p0 $0x0, s1;
	[sflag:s0] =	ssyncset.done @!p0 $0x0  }
0x72: {  	[sflag:s0] =	ssyncadd.s32 @!p0 s1  }
0x73: {  	[bflag:$0x3] =	sbarrier.arrive $0xFFFF  }
0x74: {  	_ =	shalt  }

// kernel: sparse-core-data-format-call.cloned.1.call-start
scs
called_computation_lowered:
.L_overlay_start_0:
0x0: {  	s2 =	sld [smem:$0x3FD9]  }
0x1: {  	s3 =	sld [smem:$0x3FFE];
	_ =	sdelay $0x1  }
0x2: {  	s1 =	srdreg.scid  }
0x3: {  	s0 =	sand.u32 $0x1, s1  }
0x4: {  	s18 =	sshll.u32 s0, $0xA;
	s2 =	sadd.s32 s3, s2  }
0x5: {  	s2 =	sadd.s32 s2, s18  }
0x6: {  	[smem:$0x3FC6] =	sst s2  }
0x7: {  	_ = 	snop  }
0x8: {  	s2 =	sld [smem:$0x3FD0];
	(tm) =	ssettm $0x1  }
0x9: {  	s19 =	sld [smem:$0x3FFB];
	_ =	sdelay $0x3  }
0xa: {  	_ =	strace s19  }
0xb: {  	s3 =	sld [smem:$0x3FFC];
	_ =	sdelay $0x3  }
0xc: {  	_ =	strace s3  }
0xd: {  	s3 =	sld [smem:$0x3FFD];
	_ =	sdelay $0x3  }
0xe: {  	_ =	strace s3  }
0xf: {  	_ =	strace $0x8FFFFFFF  }
0x10: {  	s20 =	sld [smem:$0x3FDB];
	_ =	sdelay $0x1  }
0x11: {  	s4 =	simm.s32 $_scs_section_size  }
0x12: {  	s5 =	simm.s32 $_size__tile_overlayer_lowered;
	s6 =	simm.s32 $_tile_overlayer_lowered  }
0x13: {  	s23 =	simm.s32 $0x1BFF;
	s22 =	sshll.u32 s6, $0x1;
	s3 =	sadd.s32 s4, s20  }
0x14: {  	s7 =	simm.s32 $0x0;
	s21 =	sshll.u32 s5, $0x1;
	s5 =	sadd.s32 s22, s3  }
0x15: {  	[timem:s7], [sflag:s23] =	dma.local [hbm:s5], s21  }
0x16: {  	_ =	swait.ge [sflag:s23], s21  }
0x17: {  	s4 =	ssub.s32 $0x0, s21;
	[sflag:s23] =	ssyncset.done $0x0  }
0x18: {  	[sflag:s23] =	ssyncadd.s32 s4;
	_ =	sdelay $0x1  }
0x19: {  	s24 =	simm.s32 $0x1B8B  }
0x1a: {  	_ =	swait.ge [sflag:s24], $0x1  }
0x1b: {  	[sflag:s24] =	ssyncset.done $0x0  }
0x1c: {  	s26 =	simm.s32 $0x1B8E;
	s25 =	sld [smem:$0x3FFE];
	[sflag:s24] =	ssyncadd.s32 $0xFFFFFFFF  }
0x1d: {  	s27 =	simm.s32 $execute0_lowered;
	[smem:$0x3FD2] =	sst s26  }
0x1e: {  	s5 =	sshll.u32 s27, $0x1;
	_ =	strace $0x80000049;
	[dreg:$0x1] =	wrdreg $0xFFFFFFFF  }
0x1f: {  	s28 =	simm.s32 $_size_execute0_lowered;
	s3 =	sadd.s32 s3, s5;
	[dreg:$0x0] =	wrdreg $0x0  }
0x20: {  	s5 =	sshll.u32 s28, $0x1;
	[dreg:$0x2] =	wrdreg s3  }
0x21: {  	[dreg:$0x3] =	wrdreg s5  }
0x22: {  	[dreg:$0x4] =	wrdreg $0xC0  }
0x23: {  	_ =	task [dreg:s7], $0x5FFFF  }
0x24: {  	[dreg:$0x1] =	wrdreg $0xFFFFFFFF  }
0x25: {  	[dreg:$0x0] =	wrdreg $0x60  }
0x26: {  	[dreg:$0x2] =	wrdreg s25  }
0x27: {  	[dreg:$0x3] =	wrdreg s2  }
0x28: {  	[dreg:$0x4] =	wrdreg $0x9  }
0x29: {  	_ =	task.clear_ibuf [dreg:s7], $0x5FFFF;
	_ =	strace $0x90000049  }
0x2a: {  	s29 =	simm.s32 $0x9;
	_ =	strace $0x8000004B  }
0x2b: {  	_ =	swait.ge [sflag:s29], $0x1  }
0x2c: {  	[sflag:s29] =	ssyncadd.s32 $0xFFFFFFFF  }
0x2d: {  	_ =	strace $0x9000004B  }
0x2e: {  	_ =	sfence  }
0x2f: {  	s30 =	sld [smem:$0x0];
	_ =	sdelay $0x2  }
0x30: {  	s31 =	sshll.u32 s1, $0xD;
	s1 =	sshrl.u32 s1, $0x2  }
0x31: {  	s3 =	sand.u32 $0x4000, s31;
	s1 =	sadd.s32 s1, s30  }
0x32: {  	s0 =	sor.u32 s3, s0;
	s1 =	sshll.u32 s1, $0x11  }
0x33: {  	s0 =	sor.u32 s1, s0  }
0x34: {  	s0 =	sadd.s32 $0x8F2B, s0  }
0x35: {  	[sflag:s0] =	ssyncadd.remote.s32 $0x1  }
0x36: {  	_ =	sfence.sel $0xFFFF  }
0x37: {  	[dreg:$0x0] =	wrdreg $0xFFFFFFFF;
	(pc) =	sbr.abs _section_cstart, $3  }
0x38: {  	[dreg:$0x1] =	wrdreg $0xFFFFFFFF  }
0x39: {  	_ =	task.clear_ibuf [dreg:s7], $0x2FFFF;
	_ =	strace $0x9FFFFFFF  }
0x3a: {  	(tm) =	ssettm $0x7FFFFFFF  }
0x3b: {  	_ =	shalt  }
tec
execute0_lowered:
.L_overlay_start_1:
0x0: {  	(tag) =	ssettag $0x1  }
0x1: {  	s0 =	srdreg.scid  }
0x2: {  	s1 =	sshll.u32 s0, $0x4  }
0x3: {  	s0 =	stileid.u32;
	s1 =	sand.u32 $0x10, s1  }
0x4: {  	s1 =	sor.u32 s0, s1  }
0x5: {  	s6 =	rddreg [dreg:$0x0];
	s4 =	simm.s32 $0x1;
	s2 =	sshll.u32 s1, $0x6  }
0x6: {  	s7 =	simm.s32 $0x2;
	s13 =	simm.s32 $0x0;
	s1 =	ssub.s32 $0x4000, s2  }
0x7: {  	s8 =	simm.s32 $0x2000;
	s9 =	simm.s32 $0x200000;
	s3 =	sand.u32 $0x7C0, s1  }
0x8: {  	s14 =	simm.s32 $0x0;
	s5 =	sshrl.u32 s1, $0xB;
	p0 =	sne.s32 s3, $0x0  }
.Ltmp0:
0x9: {  	s1 =	rddreg [dreg:$0x2];
	s4 =	simm.s32 @!p0 $0x0;
	(pc) =	sbr.rel .LBB1_1-.Ltmp0, $4  }
0xa: {  	s10 =	simm.s32 $0x0;
	s3 =	rddreg [dreg:$0x1];
	s5 =	sadd.s32 s4, s5  }
0xb: {  	_ =	strace $0x8000004A;
	s4 =	simm.s32 $0x1;
	s5 =	smul.u32 $0x19, s5  }
0xc: {  	s12 =	simm.s32 $0x0;
	s6 =	sadd.s32 $0x800, s6;
	[sflag:s4] =	ssyncpa.u1 $0x0  }
0xd: {  	s11 =	smov.u32 s2;
	[sflag:s7] =	ssyncpa.u1 $0x0;
	s7 =	sadd.s32 $0x1, s5  }
.LBB1_7:
0xe: {  	s15 =	sadd.s32 $0x2, s10  }
0xf: {  	s13 =	sadd.s32 $0x800, s11;
	s17 =	smov.u32 s11;
	p1 =	sgt.s32 s15, $0x31  }
0x10: {  	s17 =	smov.u32 @p1 s13  }
0x11: {  	s15 =	simm.s32 @p1 $0x0;
	p1 =	sgt.s32 s17, $0x3FFF  }
0x12: {  	s17 =	smov.u32 @p1 s2;
	p1 =	sne.s32 s12, s7  }
.Ltmp1:
0x13: {  	p0 =	slt.u32 s12, $0x2;
	(pc) =	sbr.rel @!p1 .LBB1_8-.Ltmp1, $4  }
0x14: {  	s16 =	simm.s32 @!p0 $0x2  }
0x15: {  	s14 =	smov.u32 s11;
	_ =	swait.ge @!p0 [sflag:s16], $0x4000  }
0x16: {  	s13 =	smov.u32 s10;
	[sflag:s16] =	ssyncset.done @!p0 $0x0;
	s10 =	smov.u32 s15  }
0x17: {  	s12 =	sadd.s32 $0x1, s12;
	[sflag:s16] =	ssyncadd.s32 @!p0 $0xFFFFC000;
	s11 =	smov.u32 s17  }
.LBB1_1:
0x18: {  	p0 =	sge.u32 s12, s5  }
0x19: {  	s15 =	sand.u32 @!p0 $0x1FFFFFF, s10  }
0x1a: {  	s16 =	smulhi.u32 @!p0 $0x4924925, s15;
	_ =	sdelay $0x1  }
0x1b: {  	s16 =	smul.u32 @!p0 $0x38, s16  }
0x1c: {  	s17 =	sxor.u32 @!p0 $0xFFFFFFFF, s12;
	s18 =	smul.u32 @!p0 $0x380, s11  }
0x1d: {  	s31 =	sadd.s32 $0xFFFFFFFF, s12;
	s17 =	sshll.u32 @!p0 s17, $0xE;
	s15 =	ssub.s32 @!p0 s15, s16  }
0x1e: {  	s16 =	sand.u32 @!p0 $0x4000, s17;
	s17 =	sadd.s32 @!p0 s6, s18;
	s15 =	sshll.u32 @!p0 s15, $0x4  }
0x1f: {  	s18 =	simm.s32 @!p0 $0x1C00;
	s15 =	sadd.s32 @!p0 s15, s17;
	s17 =	simm.s32 @!p0 $0x100  }
0x20: {  	[tilespmem:s16], [sflag:$0x1] =	stream.strided.gather @!p0 [hbm4b:s15+s17], $0x4000, s18, s17, $0x38;
	[tilespmem:$0x10000] =	vst v63  }
0x21: {  	p0 =	sge.u32 s31, s5  }
.Ltmp2:
0x22: {  	_ = 	snop;
	(pc) =	sbr.rel @p0 .LBB1_7-.Ltmp2, $1  }
0x23: {  	_ =	sdelay $0x3  }
0x24: {  	_ =	swait.ge [sflag:s4], $0x4000;
	s15 =	sshll.u32 s12, $0xE  }
0x25: {  	[sflag:s4] =	ssyncset.done $0x0;
	s16 =	sand.u32 $0x4000, s15  }
0x26: {  	s17 =	simm.s32 $0x0;
	[sflag:s4] =	ssyncadd.s32 $0xFFFFC000;
	s15 =	sor.u32 $0x8000, s16  }
.LBB1_3:
0x27: {  	s18 =	sshll.u32 s17, $0x8  }
0x28: {  	s18 =	sand.u32 $0x3FFFFF00, s18  }
0x29: {  	s19 =	sshll.u32 s17, $0x7;
	s18 =	sadd.s32 s18, s16  }
0x2a: {  	s19 =	sand.u32 $0x3FFFFF80, s19;
	v0 =	vmov s18  }
0x2b: {  	s19 =	sadd.s32 s19, s15  }
0x2c: {  	p0 =	por $0x1, $0x1;
	v1 =	vmov s19;
	s18 =	simm.s32 $0x0  }
.LBB1_4:
0x2d: {  	s19 =	sshll.u32 s18, $0x7  }
0x2e: {  	s19 =	sand.u32 $0x3FFFFF80, s19  }
0x2f: {  	v2 =	vld.idx.msk [tilespmem:v0+s19+$0x0 ss:$0x1], $0xffff  }
0x30: {  	v3 =	vld.idx.msk [tilespmem:v0+s19+$0x10 ss:$0x1], $0xffff  }
0x31: {  	v4 =	vld.idx.msk [tilespmem:v0+s19+$0x20 ss:$0x1], $0xffff  }
0x32: {  	s31 =	sshll.u32 s18, $0xD;
	v5 =	vld.idx.msk [tilespmem:v0+s19+$0x30 ss:$0x1], $0xffff  }
0x33: {  	s18 =	sand.u32 $0x3FFFE000, s31;
	v6 =	vld.idx.msk [tilespmem:v0+s19+$0x40 ss:$0x1], $0xffff  }
0x34: {  	v63 =	vld.idx.msk [tilespmem:v0+s19+$0x70 ss:$0x1], $0xffff;
	[tilespmem:v1+s18+$0x0 ss:$0x1] =	vst.idx.msk $0xffff, v2  }
0x35: {  	v2 =	vld.idx.msk [tilespmem:v0+s19+$0x50 ss:$0x1], $0xffff;
	[tilespmem:v1+s18+$0x10 ss:$0x1] =	vst.idx.msk $0xffff, v3  }
0x36: {  	p1 =	por p0, p0;
	v3 =	vld.idx.msk [tilespmem:v0+s19+$0x60 ss:$0x1], $0xffff;
	[tilespmem:v1+s18+$0x20 ss:$0x1] =	vst.idx.msk $0xffff, v4  }
.Ltmp3:
0x37: {  	[tilespmem:v1+s18+$0x30 ss:$0x1] =	vst.idx.msk $0xffff, v5;
	(pc) =	sbr.rel @p1 .LBB1_4-.Ltmp3, $4  }
0x38: {  	[tilespmem:v1+s18+$0x40 ss:$0x1] =	vst.idx.msk $0xffff, v6  }
0x39: {  	[tilespmem:v1+s18+$0x70 ss:$0x1] =	vst.idx.msk $0xffff, v63  }
0x3a: {  	[tilespmem:v1+s18+$0x50 ss:$0x1] =	vst.idx.msk $0xffff, v2  }
0x3b: {  	p0 =	por $0x0, $0x0;
	[tilespmem:v1+s18+$0x60 ss:$0x1] =	vst.idx.msk $0xffff, v3;
	s18 =	simm.s32 $0x1  }
0x3c: {  	s17 =	sadd.s32 $0x1, s17  }
0x3d: {  	p0 =	sne.s32 s17, $0x40  }
.Ltmp4:
0x3e: {  	_ = 	snop;
	(pc) =	sbr.rel @p0 .LBB1_3-.Ltmp4, $1  }
0x3f: {  	_ =	sdelay $0x3  }
.Ltmp5:
0x40: {  	s14 =	sshll.u32 s14, $0x4;
	(pc) =	sbr.rel .LBB1_7-.Ltmp5, $4  }
0x41: {  	s14 =	sand.u32 $0x3FFF0, s14  }
0x42: {  	s13 =	sshll.u32 s13, $0x12;
	s14 =	sadd.s32 s3, s14  }
0x43: {  	s13 =	sadd.s32 s13, s14  }
0x44: {  	[hbm4b:s13+s8] =	stream.strided.scatter [tilespmem:s15], [sflag:$0x2], $0x4000, s9, s8, $0x38;
	[tilespmem:$0x10000] =	vst v63  }
.LBB1_8:
0x45: {  	_ =	sfence.sel $0x180000  }
0x46: {  	s2 =	simm.s32 $0x1;
	[bflag:$0x0] =	sbarrier.arrive $0xFFFF  }
0x47: {  	s31 =	simm.s32 $0x2;
	[sflag:s2] =	ssyncpa.u1 $0x1  }
0x48: {  	[sflag:s31] =	ssyncpa.u1 $0x1  }
0x49: {  	p0 =	sne.s32 s0, $0x0;
	_ =	strace $0x9000004A  }
0x4a: {  	s0 =	sadd.s32 @!p0 $0x100000, s1;
	[bflag:$0x2] =	sbarrier.arrive $0xFFFF  }
0x4b: {  	[sflag:s0] =	ssyncadd.tile.s32 @!p0 $0x1;
	_ =	shalt  }
.Lfunc_end1:
_tile_overlayer_lowered:
.L_overlay_start_2:
0x4c: {  	(tag) =	ssettag $0x2  }
0x4d: {  	s0 =	rddreg [dreg:$0x0];
	s2 =	stileid.u32  }
0x4e: {  	s1 =	rddreg [dreg:$0x1];
	p0 =	sne.s32 s2, $0x0  }
0x4f: {  	s3 =	rddreg [dreg:$0x2];
	[bflag:$0x3] =	sbarrier.arrive $0xFFFF;
	s2 =	simm.s32 @!p0 $0x1C01  }
0x50: {  	[timem:s3], [sflag:s2] =	dma.local @!p0 [hbm:s0], s1  }
0x51: {  	s0 =	simm.s32 @!p0 $0x1  }
0x52: {  	_ =	swait.ge @!p0 [sflag:s0], s1  }
0x53: {  	s1 =	ssub.s32 @!p0 $0x0, s1;
	[sflag:s0] =	ssyncset.done @!p0 $0x0  }
0x54: {  	[sflag:s0] =	ssyncadd.s32 @!p0 s1  }
0x55: {  	[bflag:$0x3] =	sbarrier.arrive $0xFFFF  }
0x56: {  	_ =	shalt  }

</sc_bundles>
